<compile_context>
chip_gen: v7x
topology: tpu7x:2x2x1
jax: 0.10.2.dev20260603
libtpu: 0.0.44.dev20260713+nightly
codegen_flags: <defaults>
</compile_context>

<pallas_src>
import functools

import jax
import jax.numpy as jnp
from jax import lax
from jax.experimental import pallas as pl
from jax.experimental.pallas import tpu as pltpu
from jax.experimental.pallas import tpu_sc as plsc

VOCAB = 1000
EMBED = 64
BATCH = 4096
FIELDS = 26
FIELDS_PAD = 32
NUM_WORKERS = 32
ROWS_PER_W = BATCH // NUM_WORKERS
N_GROUPS = ROWS_PER_W * FIELDS_PAD // 128
NBUF = 6
G_AHEAD = 3


def _sc_embedding_gather(table_pad, idx_op):
    mesh = plsc.VectorSubcoreMesh(core_axis_name="c", subcore_axis_name="s")

    @functools.partial(
        pl.kernel,
        mesh=mesh,
        out_type=jax.ShapeDtypeStruct((BATCH * FIELDS_PAD, 128), jnp.float32),
        compiler_params=pltpu.CompilerParams(use_tc_tiling_on_sc=False),
        scratch_types=[
            pltpu.VMEM((N_GROUPS, 128), jnp.int32),
            pltpu.VMEM((NBUF, 128, 128), jnp.float32),
            pltpu.SemaphoreType.DMA,
            pltpu.SemaphoreType.DMA,
        ],
    )
    def k(table_hbm, idx_hbm, out_hbm, idx_v, rows_v, gsem, osem):
        wid = lax.axis_index("s") * 2 + lax.axis_index("c")
        row0 = wid * ROWS_PER_W

        pltpu.sync_copy(idx_hbm.at[wid], idx_v)

        def gather(g, b):
            return pltpu.make_async_copy(
                table_hbm.at[idx_v.at[g]], rows_v.at[b], gsem)

        def out_copy(g, b):
            return pltpu.make_async_copy(
                rows_v.at[b],
                out_hbm.at[pl.ds((row0 + 4 * g) * FIELDS_PAD, 128)],
                osem)

        for g in range(G_AHEAD):
            gather(g, g).start()

        def body(g, _):
            b = lax.rem(g, NBUF)
            ng = g + G_AHEAD
            fire = ng < N_GROUPS

            @pl.when(jnp.logical_and(g >= G_AHEAD, fire))
            def _():
                out_copy(g, b).wait()

            @pl.when(fire)
            def _():
                gather(ng, lax.rem(ng, NBUF)).start()

            gather(g, b).wait()
            out_copy(g, b).start()
            return ()

        lax.fori_loop(0, N_GROUPS, body, (), unroll=False)

        for i in range(NBUF):
            g = N_GROUPS - NBUF + i
            out_copy(g, g % NBUF).wait()

    return k(table_pad, idx_op)


def kernel(inputs, table):
    pad_vals = (jnp.arange(BATCH, dtype=jnp.int32)[:, None] * 7
                + jnp.arange(FIELDS_PAD - FIELDS, dtype=jnp.int32)[None, :]
                * 131) % VOCAB
    idx_op = jnp.concatenate([inputs, pad_vals], axis=1).reshape(
        NUM_WORKERS, N_GROUPS, 128)
    table_pad = jnp.pad(table, ((0, 0), (0, 128 - EMBED)))
    out = _sc_embedding_gather(table_pad, idx_op)
    return out.reshape(BATCH, FIELDS_PAD, 128)[:, :FIELDS, :EMBED]

# --- scband reference (transcript-rebuilt; emitter-appended) ---
"""Pipeline reference for scband-predicate-embeddings-27273042330236 (READ-ONLY COPY).

The authoritative reference and input builder live on the scoring server;
editing this copy changes nothing except your own understanding.
"""

import jax, jax.numpy as jnp
import numpy as np

VOCAB = 1000
EMBED_DIM = 64
BATCH = 4096
FIELDS = 26


def setup_inputs(seed: int = 0) -> dict:
    key = jax.random.key(seed)
    k1, k2 = jax.random.split(key)
    inputs = jax.random.randint(k1, (BATCH, FIELDS), 0, VOCAB, dtype=jnp.int32)
    # Embedding table (keras Embedding default uniform init ~ U(-0.05, 0.05))
    table = jax.random.uniform(k2, (VOCAB, EMBED_DIM), dtype=jnp.float32, minval=-0.05, maxval=0.05)
    return {"inputs": inputs, "table": table}


def reference(inputs, table):
    # PredicateEmbeddings.call -> Embedding lookup (gather rows of the table).
    # The L2 embeddings_regularizer only adds a training loss term (regularization=0.0 here),
    # it does not change the forward output.
    return jnp.take(table, inputs, axis=0)

if __name__ == "__main__":
    import jax
    _d = setup_inputs()
    print(jax.jit(kernel)(*tuple(_d.values())))

</pallas_src>

<mosaic_0001>
#map = affine_map<(d0, d1) -> (0, 0)>
#map1 = affine_map<(d0, d1) -> (0, 0, 0)>
module attributes {stable_mosaic.version = 14 : i64} {
  func.func @k(%arg0: i32, %arg1: i32, %arg2: memref<1000x128xf32, #tpu.memory_space<hbm>>, %arg3: memref<32x32x128xi32, #tpu.memory_space<hbm>>, %arg4: memref<131072x128xf32, #tpu.memory_space<hbm>>, %arg5: memref<32x128xi32, #tpu.memory_space<vmem>>, %arg6: memref<6x128x128xf32, #tpu.memory_space<vmem>>, %arg7: memref<!tpu.dma_semaphore, #tpu.memory_space<semaphore_mem>>, %arg8: memref<!tpu.dma_semaphore, #tpu.memory_space<semaphore_mem>>) attributes {dimension_semantics = [#tpu.dimension_semantics<core_parallel>, #tpu.dimension_semantics<subcore_parallel>], iteration_bounds = array<i64: 2, 16>, scalar_prefetch = 0 : i64, scratch_operands = 4 : i64, tpu.core_type = #tpu.core_type<sc_vector_subcore>, window_params = [{transform_indices = #map}, {transform_indices = #map1}, {transform_indices = #map}]} {
    %mul3A = arith.constant 2 : i32
    %mul3A_0 = arith.muli %arg1, %mul3A : i32
    %add3A = arith.addi %mul3A_0, %arg0 : i32
    %mul3A_1 = arith.constant 128 : i32
    %mul3A_2 = arith.muli %add3A, %mul3A_1 : i32
    "tpu.region"() ({
      %run_scoped3A = tpu.sem_alloc : memref<!tpu.dma_semaphore, #tpu.memory_space<semaphore_mem>>
      %dma_start3A_143 = arith.constant 0 : i32
      %dma_start3A_144 = arith.constant 0 : i32
      %dma_start3A_145 = tpu.memref_slice %arg3[%add3A, %dma_start3A_143, %dma_start3A_144] : memref<32x32x128xi32, #tpu.memory_space<hbm>> -> memref<1x32x128xi32, #tpu.memory_space<hbm>>
      %dma_start3A_146 = tpu.memref_squeeze %dma_start3A_145 : memref<1x32x128xi32, #tpu.memory_space<hbm>> -> memref<32x128xi32, #tpu.memory_space<hbm>>
      %dma_start3A_147 = arith.constant 0 : i32
      %dma_start3A_148 = arith.constant 0 : i32
      %dma_start3A_149 = tpu.memref_slice %arg3[%add3A, %dma_start3A_147, %dma_start3A_148] : memref<32x32x128xi32, #tpu.memory_space<hbm>> -> memref<1x32x128xi32, #tpu.memory_space<hbm>>
      %dma_start3A_150 = tpu.memref_squeeze %dma_start3A_149 : memref<1x32x128xi32, #tpu.memory_space<hbm>> -> memref<32x128xi32, #tpu.memory_space<hbm>>
      tpu.enqueue_dma source(%dma_start3A_150 : memref<32x128xi32, #tpu.memory_space<hbm>>) target(%arg5 : memref<32x128xi32, #tpu.memory_space<vmem>>) target_semaphore(%run_scoped3A : memref<!tpu.dma_semaphore, #tpu.memory_space<semaphore_mem>>)
      %dma_wait3A_151 = arith.constant 0 : i32
      %dma_wait3A_152 = arith.constant 0 : i32
      %dma_wait3A_153 = tpu.memref_slice %arg3[%add3A, %dma_wait3A_151, %dma_wait3A_152] : memref<32x32x128xi32, #tpu.memory_space<hbm>> -> memref<1x32x128xi32, #tpu.memory_space<hbm>>
      %dma_wait3A_154 = tpu.memref_squeeze %dma_wait3A_153 : memref<1x32x128xi32, #tpu.memory_space<hbm>> -> memref<32x128xi32, #tpu.memory_space<hbm>>
      %dma_wait3A_155 = arith.constant 0 : i32
      %dma_wait3A_156 = arith.constant 0 : i32
      %dma_wait3A_157 = tpu.memref_slice %arg3[%add3A, %dma_wait3A_155, %dma_wait3A_156] : memref<32x32x128xi32, #tpu.memory_space<hbm>> -> memref<1x32x128xi32, #tpu.memory_space<hbm>>
      %dma_wait3A_158 = tpu.memref_squeeze %dma_wait3A_157 : memref<1x32x128xi32, #tpu.memory_space<hbm>> -> memref<32x128xi32, #tpu.memory_space<hbm>>
      tpu.wait_dma2 semaphore(%run_scoped3A : memref<!tpu.dma_semaphore, #tpu.memory_space<semaphore_mem>>) src(%dma_wait3A_158 : memref<32x128xi32, #tpu.memory_space<hbm>>) dst(%arg5 : memref<32x128xi32, #tpu.memory_space<vmem>>)
      tpu.yield
    }) : () -> ()
    %dma_start3A = arith.constant 0 : i32
    %dma_start3A_3 = arith.constant 0 : i32
    %dma_start3A_4 = arith.constant 0 : i32
    %dma_start3A_5 = arith.constant 0 : i32
    %dma_start3A_6 = tpu.memref_slice %arg6[%dma_start3A_3, %dma_start3A_4, %dma_start3A_5] : memref<6x128x128xf32, #tpu.memory_space<vmem>> -> memref<1x128x128xf32, #tpu.memory_space<vmem>>
    %dma_start3A_7 = tpu.memref_squeeze %dma_start3A_6 : memref<1x128x128xf32, #tpu.memory_space<vmem>> -> memref<128x128xf32, #tpu.memory_space<vmem>>
    %dma_start3A_8 = arith.constant 0 : i32
    %dma_start3A_9 = tpu.memref_slice %arg5[%dma_start3A, %dma_start3A_8] : memref<32x128xi32, #tpu.memory_space<vmem>> -> memref<1x128xi32, #tpu.memory_space<vmem>>
    %dma_start3A_10 = tpu.memref_squeeze %dma_start3A_9 : memref<1x128xi32, #tpu.memory_space<vmem>> -> memref<128xi32, #tpu.memory_space<vmem>>
    %dma_start3A_11 = arith.constant 0 : i32
    %dma_start3A_12 = arith.constant 0 : i32
    %dma_start3A_13 = tpu.memref_slice %arg2[%dma_start3A_11, %dma_start3A_12] : memref<1000x128xf32, #tpu.memory_space<hbm>> -> memref<1000x128xf32, #tpu.memory_space<hbm>>
    tpu.enqueue_indirect_dma source(%dma_start3A_13 : memref<1000x128xf32, #tpu.memory_space<hbm>>) target(%dma_start3A_7 : memref<128x128xf32, #tpu.memory_space<vmem>>) offsets(%dma_start3A_10 : memref<128xi32, #tpu.memory_space<vmem>>) semaphore(%arg7 : memref<!tpu.dma_semaphore, #tpu.memory_space<semaphore_mem>>)
    %dma_start3A_14 = arith.constant 1 : i32
    %dma_start3A_15 = arith.constant 1 : i32
    %dma_start3A_16 = arith.constant 0 : i32
    %dma_start3A_17 = arith.constant 0 : i32
    %dma_start3A_18 = tpu.memref_slice %arg6[%dma_start3A_15, %dma_start3A_16, %dma_start3A_17] : memref<6x128x128xf32, #tpu.memory_space<vmem>> -> memref<1x128x128xf32, #tpu.memory_space<vmem>>
    %dma_start3A_19 = tpu.memref_squeeze %dma_start3A_18 : memref<1x128x128xf32, #tpu.memory_space<vmem>> -> memref<128x128xf32, #tpu.memory_space<vmem>>
    %dma_start3A_20 = arith.constant 0 : i32
    %dma_start3A_21 = tpu.memref_slice %arg5[%dma_start3A_14, %dma_start3A_20] : memref<32x128xi32, #tpu.memory_space<vmem>> -> memref<1x128xi32, #tpu.memory_space<vmem>>
    %dma_start3A_22 = tpu.memref_squeeze %dma_start3A_21 : memref<1x128xi32, #tpu.memory_space<vmem>> -> memref<128xi32, #tpu.memory_space<vmem>>
    %dma_start3A_23 = arith.constant 0 : i32
    %dma_start3A_24 = arith.constant 0 : i32
    %dma_start3A_25 = tpu.memref_slice %arg2[%dma_start3A_23, %dma_start3A_24] : memref<1000x128xf32, #tpu.memory_space<hbm>> -> memref<1000x128xf32, #tpu.memory_space<hbm>>
    tpu.enqueue_indirect_dma source(%dma_start3A_25 : memref<1000x128xf32, #tpu.memory_space<hbm>>) target(%dma_start3A_19 : memref<128x128xf32, #tpu.memory_space<vmem>>) offsets(%dma_start3A_22 : memref<128xi32, #tpu.memory_space<vmem>>) semaphore(%arg7 : memref<!tpu.dma_semaphore, #tpu.memory_space<semaphore_mem>>)
    %dma_start3A_26 = arith.constant 2 : i32
    %dma_start3A_27 = arith.constant 2 : i32
    %dma_start3A_28 = arith.constant 0 : i32
    %dma_start3A_29 = arith.constant 0 : i32
    %dma_start3A_30 = tpu.memref_slice %arg6[%dma_start3A_27, %dma_start3A_28, %dma_start3A_29] : memref<6x128x128xf32, #tpu.memory_space<vmem>> -> memref<1x128x128xf32, #tpu.memory_space<vmem>>
    %dma_start3A_31 = tpu.memref_squeeze %dma_start3A_30 : memref<1x128x128xf32, #tpu.memory_space<vmem>> -> memref<128x128xf32, #tpu.memory_space<vmem>>
    %dma_start3A_32 = arith.constant 0 : i32
    %dma_start3A_33 = tpu.memref_slice %arg5[%dma_start3A_26, %dma_start3A_32] : memref<32x128xi32, #tpu.memory_space<vmem>> -> memref<1x128xi32, #tpu.memory_space<vmem>>
    %dma_start3A_34 = tpu.memref_squeeze %dma_start3A_33 : memref<1x128xi32, #tpu.memory_space<vmem>> -> memref<128xi32, #tpu.memory_space<vmem>>
    %dma_start3A_35 = arith.constant 0 : i32
    %dma_start3A_36 = arith.constant 0 : i32
    %dma_start3A_37 = tpu.memref_slice %arg2[%dma_start3A_35, %dma_start3A_36] : memref<1000x128xf32, #tpu.memory_space<hbm>> -> memref<1000x128xf32, #tpu.memory_space<hbm>>
    tpu.enqueue_indirect_dma source(%dma_start3A_37 : memref<1000x128xf32, #tpu.memory_space<hbm>>) target(%dma_start3A_31 : memref<128x128xf32, #tpu.memory_space<vmem>>) offsets(%dma_start3A_34 : memref<128xi32, #tpu.memory_space<vmem>>) semaphore(%arg7 : memref<!tpu.dma_semaphore, #tpu.memory_space<semaphore_mem>>)
    %scan3A = arith.constant 0 : i32
    %scan3A_38 = arith.constant 32 : i32
    %scan3A_39 = arith.addi %scan3A, %scan3A_38 : i32
    %scan3A_40 = arith.constant 1 : i32
    scf.for %scan3A_143 = %scan3A to %scan3A_39 step %scan3A_40  : i32 {
      %rem3A = arith.constant 6 : i32
      %rem3A_144 = arith.remsi %scan3A_143, %rem3A : i32
      %add3A_145 = arith.constant 3 : i32
      %add3A_146 = arith.addi %scan3A_143, %add3A_145 : i32
      %lt3A = arith.constant 32 : i32
      %lt3A_147 = arith.cmpi slt, %add3A_146, %lt3A : i32
      %ge3A = arith.constant 3 : i32
      %ge3A_148 = arith.cmpi sge, %scan3A_143, %ge3A : i32
      %and3A = arith.andi %ge3A_148, %lt3A_147 : i1
      %convert_element_type3A = arith.extui %and3A : i1 to i32
      %cond3A = arith.constant 0 : i32
      %cond3A_149 = arith.cmpi ne, %convert_element_type3A, %cond3A : i32
      scf.if %cond3A_149 {
        %mul3A_180 = arith.constant 4 : i32
        %mul3A_181 = arith.muli %mul3A_180, %scan3A_143 : i32
        %add3A_182 = arith.addi %mul3A_2, %mul3A_181 : i32
        %mul3A_183 = arith.constant 32 : i32
        %mul3A_184 = arith.muli %add3A_182, %mul3A_183 : i32
        %dma_wait3A_185 = arith.constant 0 : i32
        %dma_wait3A_186 = arith.constant 0 : i32
        %dma_wait3A_187 = tpu.memref_slice %arg6[%rem3A_144, %dma_wait3A_185, %dma_wait3A_186] : memref<6x128x128xf32, #tpu.memory_space<vmem>> -> memref<1x128x128xf32, #tpu.memory_space<vmem>>
        %dma_wait3A_188 = tpu.memref_squeeze %dma_wait3A_187 : memref<1x128x128xf32, #tpu.memory_space<vmem>> -> memref<128x128xf32, #tpu.memory_space<vmem>>
        %dma_wait3A_189 = arith.constant 0 : i32
        %dma_wait3A_190 = tpu.memref_slice %arg4[%mul3A_184, %dma_wait3A_189] : memref<131072x128xf32, #tpu.memory_space<hbm>> -> memref<128x128xf32, #tpu.memory_space<hbm>>
        %dma_wait3A_191 = arith.constant 0 : i32
        %dma_wait3A_192 = tpu.memref_slice %arg4[%mul3A_184, %dma_wait3A_191] : memref<131072x128xf32, #tpu.memory_space<hbm>> -> memref<128x128xf32, #tpu.memory_space<hbm>>
        %dma_wait3A_193 = arith.constant 0 : i32
        %dma_wait3A_194 = arith.constant 0 : i32
        %dma_wait3A_195 = tpu.memref_slice %arg6[%rem3A_144, %dma_wait3A_193, %dma_wait3A_194] : memref<6x128x128xf32, #tpu.memory_space<vmem>> -> memref<1x128x128xf32, #tpu.memory_space<vmem>>
        %dma_wait3A_196 = tpu.memref_squeeze %dma_wait3A_195 : memref<1x128x128xf32, #tpu.memory_space<vmem>> -> memref<128x128xf32, #tpu.memory_space<vmem>>
        tpu.wait_dma2 semaphore(%arg8 : memref<!tpu.dma_semaphore, #tpu.memory_space<semaphore_mem>>) src(%dma_wait3A_196 : memref<128x128xf32, #tpu.memory_space<vmem>>) dst(%dma_wait3A_192 : memref<128x128xf32, #tpu.memory_space<hbm>>)
      } else {
      }
      %convert_element_type3A_150 = arith.extui %lt3A_147 : i1 to i32
      %cond3A_151 = arith.constant 0 : i32
      %cond3A_152 = arith.cmpi ne, %convert_element_type3A_150, %cond3A_151 : i32
      scf.if %cond3A_152 {
        %rem3A_180 = arith.constant 6 : i32
        %rem3A_181 = arith.remsi %add3A_146, %rem3A_180 : i32
        %dma_start3A_182 = arith.constant 0 : i32
        %dma_start3A_183 = arith.constant 0 : i32
        %dma_start3A_184 = tpu.memref_slice %arg6[%rem3A_181, %dma_start3A_182, %dma_start3A_183] : memref<6x128x128xf32, #tpu.memory_space<vmem>> -> memref<1x128x128xf32, #tpu.memory_space<vmem>>
        %dma_start3A_185 = tpu.memref_squeeze %dma_start3A_184 : memref<1x128x128xf32, #tpu.memory_space<vmem>> -> memref<128x128xf32, #tpu.memory_space<vmem>>
        %dma_start3A_186 = arith.constant 0 : i32
        %dma_start3A_187 = tpu.memref_slice %arg5[%add3A_146, %dma_start3A_186] : memref<32x128xi32, #tpu.memory_space<vmem>> -> memref<1x128xi32, #tpu.memory_space<vmem>>
        %dma_start3A_188 = tpu.memref_squeeze %dma_start3A_187 : memref<1x128xi32, #tpu.memory_space<vmem>> -> memref<128xi32, #tpu.memory_space<vmem>>
        %dma_start3A_189 = arith.constant 0 : i32
        %dma_start3A_190 = arith.constant 0 : i32
        %dma_start3A_191 = tpu.memref_slice %arg2[%dma_start3A_189, %dma_start3A_190] : memref<1000x128xf32, #tpu.memory_space<hbm>> -> memref<1000x128xf32, #tpu.memory_space<hbm>>
        tpu.enqueue_indirect_dma source(%dma_start3A_191 : memref<1000x128xf32, #tpu.memory_space<hbm>>) target(%dma_start3A_185 : memref<128x128xf32, #tpu.memory_space<vmem>>) offsets(%dma_start3A_188 : memref<128xi32, #tpu.memory_space<vmem>>) semaphore(%arg7 : memref<!tpu.dma_semaphore, #tpu.memory_space<semaphore_mem>>)
      } else {
      }
      %dma_wait3A_153 = arith.constant 0 : i32
      %dma_wait3A_154 = arith.constant 0 : i32
      %dma_wait3A_155 = tpu.memref_slice %arg6[%rem3A_144, %dma_wait3A_153, %dma_wait3A_154] : memref<6x128x128xf32, #tpu.memory_space<vmem>> -> memref<1x128x128xf32, #tpu.memory_space<vmem>>
      %dma_wait3A_156 = tpu.memref_squeeze %dma_wait3A_155 : memref<1x128x128xf32, #tpu.memory_space<vmem>> -> memref<128x128xf32, #tpu.memory_space<vmem>>
      %dma_wait3A_157 = arith.constant 0 : i32
      %dma_wait3A_158 = tpu.memref_slice %arg5[%scan3A_143, %dma_wait3A_157] : memref<32x128xi32, #tpu.memory_space<vmem>> -> memref<1x128xi32, #tpu.memory_space<vmem>>
      %dma_wait3A_159 = tpu.memref_squeeze %dma_wait3A_158 : memref<1x128xi32, #tpu.memory_space<vmem>> -> memref<128xi32, #tpu.memory_space<vmem>>
      %dma_wait3A_160 = arith.constant 0 : i32
      %dma_wait3A_161 = arith.constant 0 : i32
      %dma_wait3A_162 = tpu.memref_slice %arg2[%dma_wait3A_160, %dma_wait3A_161] : memref<1000x128xf32, #tpu.memory_space<hbm>> -> memref<1000x128xf32, #tpu.memory_space<hbm>>
      tpu.wait_indirect_dma semaphore(%arg7 : memref<!tpu.dma_semaphore, #tpu.memory_space<semaphore_mem>>) src(%dma_wait3A_162 : memref<1000x128xf32, #tpu.memory_space<hbm>>) dst(%dma_wait3A_156 : memref<128x128xf32, #tpu.memory_space<vmem>>)
      %mul3A_163 = arith.constant 4 : i32
      %mul3A_164 = arith.muli %mul3A_163, %scan3A_143 : i32
      %add3A_165 = arith.addi %mul3A_2, %mul3A_164 : i32
      %mul3A_166 = arith.constant 32 : i32
      %mul3A_167 = arith.muli %add3A_165, %mul3A_166 : i32
      %dma_start3A_168 = arith.constant 0 : i32
      %dma_start3A_169 = arith.constant 0 : i32
      %dma_start3A_170 = tpu.memref_slice %arg6[%rem3A_144, %dma_start3A_168, %dma_start3A_169] : memref<6x128x128xf32, #tpu.memory_space<vmem>> -> memref<1x128x128xf32, #tpu.memory_space<vmem>>
      %dma_start3A_171 = tpu.memref_squeeze %dma_start3A_170 : memref<1x128x128xf32, #tpu.memory_space<vmem>> -> memref<128x128xf32, #tpu.memory_space<vmem>>
      %dma_start3A_172 = arith.constant 0 : i32
      %dma_start3A_173 = tpu.memref_slice %arg4[%mul3A_167, %dma_start3A_172] : memref<131072x128xf32, #tpu.memory_space<hbm>> -> memref<128x128xf32, #tpu.memory_space<hbm>>
      %dma_start3A_174 = arith.constant 0 : i32
      %dma_start3A_175 = tpu.memref_slice %arg4[%mul3A_167, %dma_start3A_174] : memref<131072x128xf32, #tpu.memory_space<hbm>> -> memref<128x128xf32, #tpu.memory_space<hbm>>
      %dma_start3A_176 = arith.constant 0 : i32
      %dma_start3A_177 = arith.constant 0 : i32
      %dma_start3A_178 = tpu.memref_slice %arg6[%rem3A_144, %dma_start3A_176, %dma_start3A_177] : memref<6x128x128xf32, #tpu.memory_space<vmem>> -> memref<1x128x128xf32, #tpu.memory_space<vmem>>
      %dma_start3A_179 = tpu.memref_squeeze %dma_start3A_178 : memref<1x128x128xf32, #tpu.memory_space<vmem>> -> memref<128x128xf32, #tpu.memory_space<vmem>>
      tpu.enqueue_dma source(%dma_start3A_179 : memref<128x128xf32, #tpu.memory_space<vmem>>) target(%dma_start3A_175 : memref<128x128xf32, #tpu.memory_space<hbm>>) target_semaphore(%arg8 : memref<!tpu.dma_semaphore, #tpu.memory_space<semaphore_mem>>)
    }
    %scan3A_41 = arith.constant 32 : i32
    %add3A_42 = arith.constant 104 : i32
    %add3A_43 = arith.addi %mul3A_2, %add3A_42 : i32
    %mul3A_44 = arith.constant 32 : i32
    %mul3A_45 = arith.muli %add3A_43, %mul3A_44 : i32
    %dma_wait3A = arith.constant 2 : i32
    %dma_wait3A_46 = arith.constant 0 : i32
    %dma_wait3A_47 = arith.constant 0 : i32
    %dma_wait3A_48 = tpu.memref_slice %arg6[%dma_wait3A, %dma_wait3A_46, %dma_wait3A_47] : memref<6x128x128xf32, #tpu.memory_space<vmem>> -> memref<1x128x128xf32, #tpu.memory_space<vmem>>
    %dma_wait3A_49 = tpu.memref_squeeze %dma_wait3A_48 : memref<1x128x128xf32, #tpu.memory_space<vmem>> -> memref<128x128xf32, #tpu.memory_space<vmem>>
    %dma_wait3A_50 = arith.constant 0 : i32
    %dma_wait3A_51 = tpu.memref_slice %arg4[%mul3A_45, %dma_wait3A_50] : memref<131072x128xf32, #tpu.memory_space<hbm>> -> memref<128x128xf32, #tpu.memory_space<hbm>>
    %dma_wait3A_52 = arith.constant 0 : i32
    %dma_wait3A_53 = tpu.memref_slice %arg4[%mul3A_45, %dma_wait3A_52] : memref<131072x128xf32, #tpu.memory_space<hbm>> -> memref<128x128xf32, #tpu.memory_space<hbm>>
    %dma_wait3A_54 = arith.constant 0 : i32
    %dma_wait3A_55 = arith.constant 0 : i32
    %dma_wait3A_56 = tpu.memref_slice %arg6[%dma_wait3A, %dma_wait3A_54, %dma_wait3A_55] : memref<6x128x128xf32, #tpu.memory_space<vmem>> -> memref<1x128x128xf32, #tpu.memory_space<vmem>>
    %dma_wait3A_57 = tpu.memref_squeeze %dma_wait3A_56 : memref<1x128x128xf32, #tpu.memory_space<vmem>> -> memref<128x128xf32, #tpu.memory_space<vmem>>
    tpu.wait_dma2 semaphore(%arg8 : memref<!tpu.dma_semaphore, #tpu.memory_space<semaphore_mem>>) src(%dma_wait3A_57 : memref<128x128xf32, #tpu.memory_space<vmem>>) dst(%dma_wait3A_53 : memref<128x128xf32, #tpu.memory_space<hbm>>)
    %add3A_58 = arith.constant 108 : i32
    %add3A_59 = arith.addi %mul3A_2, %add3A_58 : i32
    %mul3A_60 = arith.constant 32 : i32
    %mul3A_61 = arith.muli %add3A_59, %mul3A_60 : i32
    %dma_wait3A_62 = arith.constant 3 : i32
    %dma_wait3A_63 = arith.constant 0 : i32
    %dma_wait3A_64 = arith.constant 0 : i32
    %dma_wait3A_65 = tpu.memref_slice %arg6[%dma_wait3A_62, %dma_wait3A_63, %dma_wait3A_64] : memref<6x128x128xf32, #tpu.memory_space<vmem>> -> memref<1x128x128xf32, #tpu.memory_space<vmem>>
    %dma_wait3A_66 = tpu.memref_squeeze %dma_wait3A_65 : memref<1x128x128xf32, #tpu.memory_space<vmem>> -> memref<128x128xf32, #tpu.memory_space<vmem>>
    %dma_wait3A_67 = arith.constant 0 : i32
    %dma_wait3A_68 = tpu.memref_slice %arg4[%mul3A_61, %dma_wait3A_67] : memref<131072x128xf32, #tpu.memory_space<hbm>> -> memref<128x128xf32, #tpu.memory_space<hbm>>
    %dma_wait3A_69 = arith.constant 0 : i32
    %dma_wait3A_70 = tpu.memref_slice %arg4[%mul3A_61, %dma_wait3A_69] : memref<131072x128xf32, #tpu.memory_space<hbm>> -> memref<128x128xf32, #tpu.memory_space<hbm>>
    %dma_wait3A_71 = arith.constant 0 : i32
    %dma_wait3A_72 = arith.constant 0 : i32
    %dma_wait3A_73 = tpu.memref_slice %arg6[%dma_wait3A_62, %dma_wait3A_71, %dma_wait3A_72] : memref<6x128x128xf32, #tpu.memory_space<vmem>> -> memref<1x128x128xf32, #tpu.memory_space<vmem>>
    %dma_wait3A_74 = tpu.memref_squeeze %dma_wait3A_73 : memref<1x128x128xf32, #tpu.memory_space<vmem>> -> memref<128x128xf32, #tpu.memory_space<vmem>>
    tpu.wait_dma2 semaphore(%arg8 : memref<!tpu.dma_semaphore, #tpu.memory_space<semaphore_mem>>) src(%dma_wait3A_74 : memref<128x128xf32, #tpu.memory_space<vmem>>) dst(%dma_wait3A_70 : memref<128x128xf32, #tpu.memory_space<hbm>>)
    %add3A_75 = arith.constant 112 : i32
    %add3A_76 = arith.addi %mul3A_2, %add3A_75 : i32
    %mul3A_77 = arith.constant 32 : i32
    %mul3A_78 = arith.muli %add3A_76, %mul3A_77 : i32
    %dma_wait3A_79 = arith.constant 4 : i32
    %dma_wait3A_80 = arith.constant 0 : i32
    %dma_wait3A_81 = arith.constant 0 : i32
    %dma_wait3A_82 = tpu.memref_slice %arg6[%dma_wait3A_79, %dma_wait3A_80, %dma_wait3A_81] : memref<6x128x128xf32, #tpu.memory_space<vmem>> -> memref<1x128x128xf32, #tpu.memory_space<vmem>>
    %dma_wait3A_83 = tpu.memref_squeeze %dma_wait3A_82 : memref<1x128x128xf32, #tpu.memory_space<vmem>> -> memref<128x128xf32, #tpu.memory_space<vmem>>
    %dma_wait3A_84 = arith.constant 0 : i32
    %dma_wait3A_85 = tpu.memref_slice %arg4[%mul3A_78, %dma_wait3A_84] : memref<131072x128xf32, #tpu.memory_space<hbm>> -> memref<128x128xf32, #tpu.memory_space<hbm>>
    %dma_wait3A_86 = arith.constant 0 : i32
    %dma_wait3A_87 = tpu.memref_slice %arg4[%mul3A_78, %dma_wait3A_86] : memref<131072x128xf32, #tpu.memory_space<hbm>> -> memref<128x128xf32, #tpu.memory_space<hbm>>
    %dma_wait3A_88 = arith.constant 0 : i32
    %dma_wait3A_89 = arith.constant 0 : i32
    %dma_wait3A_90 = tpu.memref_slice %arg6[%dma_wait3A_79, %dma_wait3A_88, %dma_wait3A_89] : memref<6x128x128xf32, #tpu.memory_space<vmem>> -> memref<1x128x128xf32, #tpu.memory_space<vmem>>
    %dma_wait3A_91 = tpu.memref_squeeze %dma_wait3A_90 : memref<1x128x128xf32, #tpu.memory_space<vmem>> -> memref<128x128xf32, #tpu.memory_space<vmem>>
    tpu.wait_dma2 semaphore(%arg8 : memref<!tpu.dma_semaphore, #tpu.memory_space<semaphore_mem>>) src(%dma_wait3A_91 : memref<128x128xf32, #tpu.memory_space<vmem>>) dst(%dma_wait3A_87 : memref<128x128xf32, #tpu.memory_space<hbm>>)
    %add3A_92 = arith.constant 116 : i32
    %add3A_93 = arith.addi %mul3A_2, %add3A_92 : i32
    %mul3A_94 = arith.constant 32 : i32
    %mul3A_95 = arith.muli %add3A_93, %mul3A_94 : i32
    %dma_wait3A_96 = arith.constant 5 : i32
    %dma_wait3A_97 = arith.constant 0 : i32
    %dma_wait3A_98 = arith.constant 0 : i32
    %dma_wait3A_99 = tpu.memref_slice %arg6[%dma_wait3A_96, %dma_wait3A_97, %dma_wait3A_98] : memref<6x128x128xf32, #tpu.memory_space<vmem>> -> memref<1x128x128xf32, #tpu.memory_space<vmem>>
    %dma_wait3A_100 = tpu.memref_squeeze %dma_wait3A_99 : memref<1x128x128xf32, #tpu.memory_space<vmem>> -> memref<128x128xf32, #tpu.memory_space<vmem>>
    %dma_wait3A_101 = arith.constant 0 : i32
    %dma_wait3A_102 = tpu.memref_slice %arg4[%mul3A_95, %dma_wait3A_101] : memref<131072x128xf32, #tpu.memory_space<hbm>> -> memref<128x128xf32, #tpu.memory_space<hbm>>
    %dma_wait3A_103 = arith.constant 0 : i32
    %dma_wait3A_104 = tpu.memref_slice %arg4[%mul3A_95, %dma_wait3A_103] : memref<131072x128xf32, #tpu.memory_space<hbm>> -> memref<128x128xf32, #tpu.memory_space<hbm>>
    %dma_wait3A_105 = arith.constant 0 : i32
    %dma_wait3A_106 = arith.constant 0 : i32
    %dma_wait3A_107 = tpu.memref_slice %arg6[%dma_wait3A_96, %dma_wait3A_105, %dma_wait3A_106] : memref<6x128x128xf32, #tpu.memory_space<vmem>> -> memref<1x128x128xf32, #tpu.memory_space<vmem>>
    %dma_wait3A_108 = tpu.memref_squeeze %dma_wait3A_107 : memref<1x128x128xf32, #tpu.memory_space<vmem>> -> memref<128x128xf32, #tpu.memory_space<vmem>>
    tpu.wait_dma2 semaphore(%arg8 : memref<!tpu.dma_semaphore, #tpu.memory_space<semaphore_mem>>) src(%dma_wait3A_108 : memref<128x128xf32, #tpu.memory_space<vmem>>) dst(%dma_wait3A_104 : memref<128x128xf32, #tpu.memory_space<hbm>>)
    %add3A_109 = arith.constant 120 : i32
    %add3A_110 = arith.addi %mul3A_2, %add3A_109 : i32
    %mul3A_111 = arith.constant 32 : i32
    %mul3A_112 = arith.muli %add3A_110, %mul3A_111 : i32
    %dma_wait3A_113 = arith.constant 0 : i32
    %dma_wait3A_114 = arith.constant 0 : i32
    %dma_wait3A_115 = arith.constant 0 : i32
    %dma_wait3A_116 = tpu.memref_slice %arg6[%dma_wait3A_113, %dma_wait3A_114, %dma_wait3A_115] : memref<6x128x128xf32, #tpu.memory_space<vmem>> -> memref<1x128x128xf32, #tpu.memory_space<vmem>>
    %dma_wait3A_117 = tpu.memref_squeeze %dma_wait3A_116 : memref<1x128x128xf32, #tpu.memory_space<vmem>> -> memref<128x128xf32, #tpu.memory_space<vmem>>
    %dma_wait3A_118 = arith.constant 0 : i32
    %dma_wait3A_119 = tpu.memref_slice %arg4[%mul3A_112, %dma_wait3A_118] : memref<131072x128xf32, #tpu.memory_space<hbm>> -> memref<128x128xf32, #tpu.memory_space<hbm>>
    %dma_wait3A_120 = arith.constant 0 : i32
    %dma_wait3A_121 = tpu.memref_slice %arg4[%mul3A_112, %dma_wait3A_120] : memref<131072x128xf32, #tpu.memory_space<hbm>> -> memref<128x128xf32, #tpu.memory_space<hbm>>
    %dma_wait3A_122 = arith.constant 0 : i32
    %dma_wait3A_123 = arith.constant 0 : i32
    %dma_wait3A_124 = tpu.memref_slice %arg6[%dma_wait3A_113, %dma_wait3A_122, %dma_wait3A_123] : memref<6x128x128xf32, #tpu.memory_space<vmem>> -> memref<1x128x128xf32, #tpu.memory_space<vmem>>
    %dma_wait3A_125 = tpu.memref_squeeze %dma_wait3A_124 : memref<1x128x128xf32, #tpu.memory_space<vmem>> -> memref<128x128xf32, #tpu.memory_space<vmem>>
    tpu.wait_dma2 semaphore(%arg8 : memref<!tpu.dma_semaphore, #tpu.memory_space<semaphore_mem>>) src(%dma_wait3A_125 : memref<128x128xf32, #tpu.memory_space<vmem>>) dst(%dma_wait3A_121 : memref<128x128xf32, #tpu.memory_space<hbm>>)
    %add3A_126 = arith.constant 124 : i32
    %add3A_127 = arith.addi %mul3A_2, %add3A_126 : i32
    %mul3A_128 = arith.constant 32 : i32
    %mul3A_129 = arith.muli %add3A_127, %mul3A_128 : i32
    %dma_wait3A_130 = arith.constant 1 : i32
    %dma_wait3A_131 = arith.constant 0 : i32
    %dma_wait3A_132 = arith.constant 0 : i32
    %dma_wait3A_133 = tpu.memref_slice %arg6[%dma_wait3A_130, %dma_wait3A_131, %dma_wait3A_132] : memref<6x128x128xf32, #tpu.memory_space<vmem>> -> memref<1x128x128xf32, #tpu.memory_space<vmem>>
    %dma_wait3A_134 = tpu.memref_squeeze %dma_wait3A_133 : memref<1x128x128xf32, #tpu.memory_space<vmem>> -> memref<128x128xf32, #tpu.memory_space<vmem>>
    %dma_wait3A_135 = arith.constant 0 : i32
    %dma_wait3A_136 = tpu.memref_slice %arg4[%mul3A_129, %dma_wait3A_135] : memref<131072x128xf32, #tpu.memory_space<hbm>> -> memref<128x128xf32, #tpu.memory_space<hbm>>
    %dma_wait3A_137 = arith.constant 0 : i32
    %dma_wait3A_138 = tpu.memref_slice %arg4[%mul3A_129, %dma_wait3A_137] : memref<131072x128xf32, #tpu.memory_space<hbm>> -> memref<128x128xf32, #tpu.memory_space<hbm>>
    %dma_wait3A_139 = arith.constant 0 : i32
    %dma_wait3A_140 = arith.constant 0 : i32
    %dma_wait3A_141 = tpu.memref_slice %arg6[%dma_wait3A_130, %dma_wait3A_139, %dma_wait3A_140] : memref<6x128x128xf32, #tpu.memory_space<vmem>> -> memref<1x128x128xf32, #tpu.memory_space<vmem>>
    %dma_wait3A_142 = tpu.memref_squeeze %dma_wait3A_141 : memref<1x128x128xf32, #tpu.memory_space<vmem>> -> memref<128x128xf32, #tpu.memory_space<vmem>>
    tpu.wait_dma2 semaphore(%arg8 : memref<!tpu.dma_semaphore, #tpu.memory_space<semaphore_mem>>) src(%dma_wait3A_142 : memref<128x128xf32, #tpu.memory_space<vmem>>) dst(%dma_wait3A_138 : memref<128x128xf32, #tpu.memory_space<hbm>>)
    return
  }
}

</mosaic_0001>

<sc_bundles>
// kernel: kernel.3.cloned.1.call-start
scs
__scs_entry_jumppad:
0x0: {  	(pc) =	sbr.rel $0x88, $3  }
0x1: {  	(tag) =	ssettag $0x0;
	lr =	simm.s32 $0x1  }
0x2: {  	[smem:$0x3F9F] =	sst lr;
	_ =	strace $0xD0000000  }
0x3: {  	_ = 	snop  }
0x4: {  	_ = 	snop  }
0x5: {  	_ = 	snop  }
0x6: {  	_ = 	snop  }
0x7: {  	_ = 	snop  }
__scs_overlays_trampoline_lowered:
0x8: {  	[smem:$0x3FAE] =	sst s0  }
0x9: {  	[smem:$0x3FAF] =	sst s1  }
0xa: {  	[smem:$0x3FB0] =	sst s2  }
0xb: {  	[smem:$0x3FB1] =	sst s3  }
0xc: {  	[smem:$0x3FB2] =	sst s4  }
0xd: {  	[smem:$0x3FB3] =	sst s5  }
0xe: {  	[smem:$0x3FB4] =	sst s6  }
0xf: {  	[smem:$0x3FB5] =	sst s7  }
0x10: {  	[smem:$0x3FB6] =	sst s8  }
0x11: {  	[smem:$0x3FB7] =	sst s9;
	s0 =	simm.s32 @!p0 $0x0  }
0x12: {  	s1 =	sld [smem:$0x3F9D];
	s0 =	simm.s32 @p0 $0x1  }
0x13: {  	[smem:$0x3FB8] =	sst s0;
	s0 =	simm.s32 @!p1 $0x0  }
0x14: {  	s2 =	sld [smem:$0x3F9C];
	s0 =	simm.s32 @p1 $0x1  }
0x15: {  	[smem:$0x3FB9] =	sst s0;
	s0 =	simm.s32 @!p2 $0x0  }
0x16: {  	s3 =	sld [smem:$0x3FDB];
	s0 =	simm.s32 @p2 $0x1  }
0x17: {  	s4 =	simm.s32 $0x1BF5;
	[smem:$0x3FBB] =	sst s0  }
0x18: {  	s0 =	sld [smem:$0x3F9E];
	_ =	swait.ge [sflag:s4], $0x0  }
0x19: {  	s7 =	sld [smem:$0x3F9F]  }
0x1a: {  	s8 =	sadd.s32 $0xFFFFE003, lr  }
0x1b: {  	s9 =	sadd.s32 $0xFFFFFEF7, lr;
	s5 =	simm.s32 $0xFFFFFFFF;
	p2 =	slt.u32 s8, $0xFFFFF086  }
0x1c: {  	p1 =	slt.u32 s9, $0xF7A;
	s5 =	simm.s32 @!p2 $0x0  }
0x1d: {  	s5 =	simm.s32 @p1 $0x1;
	p0 =	seq.s32 s7, s2  }
0x1e: {  	s7 =	smul.u32 @!p0 $0xF7A, s2;
	p2 =	seq.s32 @!p0 s5, $0x0  }
0x1f: {  	s9 =	smul.u32 $0xF7A, s1;
	s8 =	simm.s32 @!p0 $0x1BF5;
	p2 =	por !p2, p0  }
0x20: {  	[sflag:s8] =	ssyncset.s32 @!p0 $0xFFFFF086;
	s6 =	sadd.s32 @!p0 s3, s7;
	s7 =	simm.s32 @!p0 $0x108  }
0x21: {  	s3 =	sadd.s32 s3, s9;
	s6 =	sadd.s32 @!p0 $0x88, s6;
	s7 =	simm.s32 @p2 $0x1082  }
0x22: {  	[simem:s7], [sflag:s8] =	dma.local @!p0 [hbm:s6], $0xF7A  }
0x23: {  	s9 =	sor.u32 $0xD0000000, s2;
	s6 =	simm.s32 $0x108;
	_ =	swait.ge @!p0 [sflag:s8], $0x0  }
0x24: {  	s3 =	sadd.s32 $0x88, s3;
	s6 =	simm.s32 @!p1 $0x1082;
	[sflag:s4] =	ssyncset.s32 $0xFFFFF086  }
0x25: {  	[simem:s6], [sflag:s4] =	dma.local [hbm:s3], $0xF7A  }
0x26: {  	[smem:$0x3F9F] =	sst s1;
	(tag) =	ssettag s2;
	_ =	strace s9  }
0x27: {  	s1 =	sld [smem:$0x3FAF]  }
0x28: {  	s2 =	sld [smem:$0x3FB0]  }
0x29: {  	s4 =	sld [smem:$0x3FB2]  }
0x2a: {  	p0 =	seq.s32 s5, $0x0;
	s5 =	sld [smem:$0x3FB3]  }
0x2b: {  	s6 =	sld [smem:$0x3FB4]  }
0x2c: {  	s7 =	sld [smem:$0x3FB5]  }
0x2d: {  	s3 =	simm.s32 $0x108;
	s8 =	sld [smem:$0x3FB6]  }
0x2e: {  	s3 =	simm.s32 @!p0 $0x1082;
	s9 =	sld [smem:$0x3FB7]  }
0x2f: {  	lr =	sadd.s32 s0, s3;
	s0 =	sld [smem:$0x3FAE]  }
0x30: {  	s3 =	sld [smem:$0x3FB1]  }
0x31: {  	[smem:$0x3FBA] =	sst s10  }
0x32: {  	s10 =	sld [smem:$0x3FB8];
	_ =	sdelay $0x3  }
0x33: {  	p0 =	seq.s32 s10, $0x1;
	s10 =	sld [smem:$0x3FBA];
	_ =	sdelay $0x3  }
0x34: {  	[smem:$0x3FBA] =	sst s10  }
0x35: {  	s10 =	sld [smem:$0x3FB9];
	_ =	sdelay $0x3  }
0x36: {  	p1 =	seq.s32 s10, $0x1;
	s10 =	sld [smem:$0x3FBA];
	_ =	sdelay $0x3  }
0x37: {  	[smem:$0x3FBA] =	sst s10  }
0x38: {  	s10 =	sld [smem:$0x3FBB]  }
0x39: {  	_ = 	snop;
	(pc) =	sbr.ind lr, $3  }
0x3a: {  	_ = 	snop  }
0x3b: {  	_ = 	snop  }
0x3c: {  	p2 =	seq.s32 s10, $0x1;
	s10 =	sld [smem:$0x3FBA]  }
0x3d: {  	_ =	shalt  }
0x3e: {  	_ =	shalt  }
0x3f: {  	_ =	shalt  }
0x40: {  	_ =	shalt  }
0x41: {  	_ =	shalt  }
0x42: {  	_ =	shalt  }
0x43: {  	_ =	shalt  }
0x44: {  	_ =	shalt  }
0x45: {  	_ =	shalt  }
0x46: {  	_ =	shalt  }
0x47: {  	_ =	shalt  }
0x48: {  	_ =	shalt  }
0x49: {  	_ =	shalt  }
0x4a: {  	_ =	shalt  }
0x4b: {  	_ =	shalt  }
0x4c: {  	_ =	shalt  }
0x4d: {  	_ =	shalt  }
0x4e: {  	_ =	shalt  }
0x4f: {  	_ =	shalt  }
0x50: {  	_ =	shalt  }
0x51: {  	_ =	shalt  }
0x52: {  	_ =	shalt  }
0x53: {  	_ =	shalt  }
0x54: {  	_ =	shalt  }
0x55: {  	_ =	shalt  }
0x56: {  	_ =	shalt  }
0x57: {  	_ =	shalt  }
0x58: {  	_ =	shalt  }
0x59: {  	_ =	shalt  }
0x5a: {  	_ =	shalt  }
0x5b: {  	_ =	shalt  }
0x5c: {  	_ =	shalt  }
0x5d: {  	_ =	shalt  }
0x5e: {  	_ =	shalt  }
0x5f: {  	_ =	shalt  }
0x60: {  	_ =	shalt  }
0x61: {  	_ =	shalt  }
0x62: {  	_ =	shalt  }
0x63: {  	_ =	shalt  }
0x64: {  	_ =	shalt  }
0x65: {  	_ =	shalt  }
0x66: {  	_ =	shalt  }
0x67: {  	_ =	shalt  }
0x68: {  	_ =	shalt  }
0x69: {  	_ =	shalt  }
0x6a: {  	_ =	shalt  }
0x6b: {  	_ =	shalt  }
0x6c: {  	_ =	shalt  }
0x6d: {  	_ =	shalt  }
0x6e: {  	_ =	shalt  }
0x6f: {  	_ =	shalt  }
0x70: {  	_ =	shalt  }
0x71: {  	_ =	shalt  }
0x72: {  	_ =	shalt  }
0x73: {  	_ =	shalt  }
0x74: {  	_ =	shalt  }
0x75: {  	_ =	shalt  }
0x76: {  	_ =	shalt  }
0x77: {  	_ =	shalt  }
0x78: {  	_ =	shalt  }
0x79: {  	_ =	shalt  }
0x7a: {  	_ =	shalt  }
0x7b: {  	_ =	shalt  }
0x7c: {  	_ =	shalt  }
0x7d: {  	_ =	shalt  }
0x7e: {  	_ =	shalt  }
0x7f: {  	_ =	shalt  }
0x80: {  	_ =	shalt  }
0x81: {  	_ =	shalt  }
0x82: {  	_ =	shalt  }
0x83: {  	_ =	shalt  }
0x84: {  	_ =	shalt  }
0x85: {  	_ =	shalt  }
0x86: {  	_ =	shalt  }
0x87: {  	_ =	shalt  }
.Lfunc_end0:
.L_simem_size_0:
called_computation_lowered:
.L_overlay_start_0:
0x88: {  	s2 =	sld [smem:$0x3FD9]  }
0x89: {  	s3 =	sld [smem:$0x3FFE];
	_ =	sdelay $0x1  }
0x8a: {  	s1 =	srdreg.scid  }
0x8b: {  	s0 =	sand.u32 $0x1, s1  }
0x8c: {  	s17 =	sshll.u32 s0, $0xA;
	s2 =	sadd.s32 s3, s2  }
0x8d: {  	s2 =	sadd.s32 s2, s17  }
0x8e: {  	[smem:$0x3FC6] =	sst s2  }
0x8f: {  	_ = 	snop  }
0x90: {  	s2 =	sld [smem:$0x3FD0];
	(tm) =	ssettm $0x1  }
0x91: {  	s18 =	sld [smem:$0x3FFB];
	_ =	sdelay $0x3  }
0x92: {  	_ =	strace s18  }
0x93: {  	s3 =	sld [smem:$0x3FFC];
	_ =	sdelay $0x3  }
0x94: {  	_ =	strace s3  }
0x95: {  	s3 =	sld [smem:$0x3FFD];
	_ =	sdelay $0x3  }
0x96: {  	_ =	strace s3  }
0x97: {  	_ =	strace $0x8FFFFFFF  }
0x98: {  	s19 =	sld [smem:$0x3FDB];
	_ =	sdelay $0x1  }
0x99: {  	s4 =	simm.s32 $_scs_section_size  }
0x9a: {  	s5 =	simm.s32 $_size__tile_overlayer_lowered;
	s6 =	simm.s32 $_tile_overlayer_lowered  }
0x9b: {  	s22 =	simm.s32 $0x1BFF;
	s21 =	sshll.u32 s6, $0x1;
	s3 =	sadd.s32 s4, s19  }
0x9c: {  	s7 =	simm.s32 $0x0;
	s20 =	sshll.u32 s5, $0x1;
	s5 =	sadd.s32 s21, s3  }
0x9d: {  	[timem:s7], [sflag:s22] =	dma.local [hbm:s5], s20  }
0x9e: {  	_ =	swait.ge [sflag:s22], s20  }
0x9f: {  	s4 =	ssub.s32 $0x0, s20;
	[sflag:s22] =	ssyncset.done $0x0  }
0xa0: {  	[sflag:s22] =	ssyncadd.s32 s4;
	_ =	sdelay $0x1  }
0xa1: {  	s23 =	simm.s32 $0x1B8B  }
0xa2: {  	_ =	swait.ge [sflag:s23], $0x1  }
0xa3: {  	[sflag:s23] =	ssyncset.done $0x0  }
0xa4: {  	s25 =	simm.s32 $0x1B8E;
	s24 =	sld [smem:$0x3FFE];
	[sflag:s23] =	ssyncadd.s32 $0xFFFFFFFF  }
0xa5: {  	s26 =	simm.s32 $execute0_lowered;
	[smem:$0x3FD2] =	sst s25  }
0xa6: {  	s5 =	sshll.u32 s26, $0x1;
	_ =	strace $0x80000046;
	[dreg:$0x1] =	wrdreg $0xFFFFFFFF  }
0xa7: {  	s28 =	simm.s32 $_size_execute0_lowered;
	s3 =	sadd.s32 s3, s5;
	[dreg:$0x0] =	wrdreg $0x0  }
0xa8: {  	s5 =	sshll.u32 s28, $0x1;
	[dreg:$0x2] =	wrdreg s3  }
0xa9: {  	[dreg:$0x3] =	wrdreg s5  }
0xaa: {  	[dreg:$0x4] =	wrdreg $0xC0  }
0xab: {  	_ =	task [dreg:s7], $0x5FFFF  }
0xac: {  	[dreg:$0x1] =	wrdreg $0xFFFFFFFF  }
0xad: {  	[dreg:$0x0] =	wrdreg $0x60  }
0xae: {  	[dreg:$0x2] =	wrdreg s24  }
0xaf: {  	[dreg:$0x3] =	wrdreg s2  }
0xb0: {  	[dreg:$0x4] =	wrdreg $0x9  }
0xb1: {  	_ =	task.clear_ibuf [dreg:s7], $0x5FFFF;
	_ =	strace $0x90000046  }
0xb2: {  	s29 =	simm.s32 $0x9;
	_ =	strace $0x80000048  }
0xb3: {  	_ =	swait.ge [sflag:s29], $0x1  }
0xb4: {  	[sflag:s29] =	ssyncadd.s32 $0xFFFFFFFF  }
0xb5: {  	_ =	strace $0x90000048  }
0xb6: {  	_ =	sfence  }
0xb7: {  	s30 =	sld [smem:$0x0];
	_ =	sdelay $0x2  }
0xb8: {  	s31 =	sshll.u32 s1, $0xD;
	s1 =	sshrl.u32 s1, $0x2  }
0xb9: {  	s3 =	sand.u32 $0x4000, s31;
	s1 =	sadd.s32 s1, s30  }
0xba: {  	s0 =	sor.u32 s3, s0;
	s1 =	sshll.u32 s1, $0x11  }
0xbb: {  	s0 =	sor.u32 s1, s0  }
0xbc: {  	s0 =	sadd.s32 $0x8F2B, s0  }
0xbd: {  	[sflag:s0] =	ssyncadd.remote.s32 $0x1  }
0xbe: {  	_ =	sfence.sel $0xFFFF  }
0xbf: {  	[dreg:$0x0] =	wrdreg $0xFFFFFFFF;
	(pc) =	sbr.abs _section_cstart, $3  }
0xc0: {  	[dreg:$0x1] =	wrdreg $0xFFFFFFFF  }
0xc1: {  	_ =	task.clear_ibuf [dreg:s7], $0x2FFFF;
	_ =	strace $0x9FFFFFFF  }
0xc2: {  	(tm) =	ssettm $0x7FFFFFFF  }
0xc3: {  	_ =	shalt  }
tec
execute0_lowered:
.L_overlay_start_1:
0x0: {  	(tag) =	ssettag $0x1  }
0x1: {  	s4 =	rddreg [dreg:$0x0]  }
0x2: {  	s5 =	rddreg [dreg:$0x1]  }
0x3: {  	s0 =	rddreg [dreg:$0x2]  }
0x4: {  	s2 =	simm.s32 $0x0;
	s3 =	srdreg.scid;
	s1 =	stileid.u32  }
0x5: {  	s11 =	simm.s32 $0x100;
	s12 =	simm.s32 $0x9000;
	s13 =	simm.s32 $0x2  }
0x6: {  	s14 =	simm.s32 $0x1;
	s15 =	simm.s32 $0x0;
	[smem:$0x7FF] =	sst s2  }
0x7: {  	s6 =	sand.u32 $0x1, s3;
	s7 =	sshll.u32 s1, $0x11;
	s3 =	sadd.s32 $0x400, s4  }
0x8: {  	s9 =	sshll.u32 s1, $0xA;
	_ =	strace $0x80000047;
	s8 =	ssub.s32 $0x2, s6  }
.Ltmp0:
0x9: {  	s4 =	sadd.s32 s7, s4;
	s10 =	sshll.u32 s6, $0x9;
	(pc) =	sbr.rel .LBB2_1-.Ltmp0, $4  }
0xa: {  	s6 =	sshll.u32 s6, $0x10;
	s30 =	sshrl.u32 s8, $0x1;
	s31 =	sor.u32 s10, s9  }
0xb: {  	s6 =	sadd.s32 s6, s4;
	s9 =	simm.s32 $0x1000;
	s10 =	simm.s32 $0x5000  }
0xc: {  	s7 =	ssub.s32 s8, s30;
	s4 =	sadd.s32 s5, s31;
	s6 =	sadd.s32 $0x4400, s6  }
0xd: {  	s8 =	simm.s32 $0x80;
	s5 =	smax.u32 s7, $0x1;
	s7 =	simm.s32 $0x3  }
.LBB2_7:
0xe: {  	_ =	swait.ge [sflag:s13], $0x4000  }
0xf: {  	[sflag:s13] =	ssyncset.done $0x0  }
0x10: {  	[sflag:s13] =	ssyncadd.s32 $0xFFFFC000  }
0x11: {  	_ =	swait.ge [sflag:s13], $0x4000  }
0x12: {  	[sflag:s13] =	ssyncset.done $0x0  }
0x13: {  	[sflag:s13] =	ssyncadd.s32 $0xFFFFC000  }
0x14: {  	_ =	swait.ge [sflag:s13], $0x4000  }
0x15: {  	[sflag:s13] =	ssyncset.done $0x0  }
0x16: {  	[sflag:s13] =	ssyncadd.s32 $0xFFFFC000  }
0x17: {  	_ =	swait.ge [sflag:s13], $0x4000  }
0x18: {  	[sflag:s13] =	ssyncset.done $0x0  }
0x19: {  	s15 =	sadd.s32 $0x1, s15;
	[sflag:s13] =	ssyncadd.s32 $0xFFFFC000  }
0x1a: {  	p0 =	sne.s32 s15, s5;
	_ =	swait.ge [sflag:s13], $0x4000  }
.Ltmp1:
0x1b: {  	[sflag:s13] =	ssyncset.done $0x0;
	(pc) =	sbr.rel @!p0 .LBB2_8-.Ltmp1, $4  }
0x1c: {  	[sflag:s13] =	ssyncadd.s32 $0xFFFFC000  }
0x1d: {  	_ =	swait.ge [sflag:s13], $0x4000  }
0x1e: {  	[sflag:s13] =	ssyncset.done $0x0  }
0x1f: {  	[sflag:s13] =	ssyncadd.s32 $0xFFFFC000  }
.LBB2_1:
0x20: {  	[tilespmem:s2], [sflag:$0x3] =	stream.linear.gather [hbm4b:s4+s2], $0x1000, $0x38;
	[tilespmem:$0x19000] =	vst v63  }
0x21: {  	_ =	swait.ge [sflag:s7], $0x1000  }
0x22: {  	[sflag:s7] =	ssyncset.done $0x0  }
0x23: {  	[sflag:s7] =	ssyncadd.s32 $0xFFFFF000  }
0x24: {  	[tilespmem:s9], [sflag:$0x1] =	stream.indirect.gather [hbm4b:s3+s8], $0x80, s2, s8, $0xb8;
	[tilespmem:$0x19000] =	vst v63  }
.Ltmp2:
0x25: {  	_ = 	snop;
	(pc) =	sbr.rel .LBB2_2-.Ltmp2, $4  }
0x26: {  	_ = 	snop  }
0x27: {  	[tilespmem:s10], [sflag:$0x1] =	stream.indirect.gather [hbm4b:s3+s8], $0x80, s8, s8, $0xb8;
	[tilespmem:$0x19000] =	vst v63  }
0x28: {  	s16 =	simm.s32 $0xFFFFFFFD;
	s17 =	simm.s32 $0x180;
	s18 =	smov.u32 s6  }
0x29: {  	[tilespmem:s12], [sflag:$0x1] =	stream.indirect.gather [hbm4b:s3+s8], $0x80, s11, s8, $0xb8;
	[tilespmem:$0x19000] =	vst v63  }
.LBB2_3:
0x2a: {  	_ =	swait.ge [sflag:s13], $0x4000  }
0x2b: {  	[sflag:s13] =	ssyncset.done $0x0  }
0x2c: {  	[sflag:s13] =	ssyncadd.s32 $0xFFFFC000  }
.LBB2_5:
0x2d: {  	s20 =	sadd.s32 $0x6, s16  }
0x2e: {  	s21 =	smul.u32 $0xAB, s20;
	_ =	sdelay $0x1  }
0x2f: {  	s21 =	sshrl.u32 s21, $0xA  }
0x30: {  	s21 =	sand.u32 $0x3F, s21  }
0x31: {  	s21 =	smul.u32 $0x6, s21;
	_ =	sdelay $0x1  }
0x32: {  	s20 =	ssub.s32 s20, s21  }
0x33: {  	s20 =	sand.u32 $0xFF, s20  }
0x34: {  	s20 =	sshll.u32 s20, $0xE  }
0x35: {  	s20 =	sor.u32 $0x1000, s20  }
0x36: {  	[tilespmem:s20], [sflag:$0x1] =	stream.indirect.gather [hbm4b:s3+s8], $0x80, s17, s8, $0xb8;
	[tilespmem:$0x19000] =	vst v63  }
.LBB2_6:
0x37: {  	s20 =	smul.u32 $0xAB, s19;
	_ =	sdelay $0x1  }
0x38: {  	s20 =	sshrl.u32 s20, $0xA  }
0x39: {  	s20 =	sand.u32 $0x3F, s20  }
0x3a: {  	s20 =	smul.u32 $0x6, s20  }
0x3b: {  	s16 =	sadd.s32 $0x1, s16  }
0x3c: {  	p0 =	sne.s32 s16, $0x1D;
	s31 =	ssub.s32 s19, s20  }
.Ltmp3:
0x3d: {  	_ =	swait.ge [sflag:s14], $0x4000;
	s19 =	sand.u32 $0xFF, s31;
	(pc) =	sbr.rel @!p0 .LBB2_7-.Ltmp3, $4  }
0x3e: {  	[sflag:s14] =	ssyncset.done $0x0;
	s19 =	sshll.u32 s19, $0xE  }
0x3f: {  	[sflag:s14] =	ssyncadd.s32 $0xFFFFC000;
	s19 =	sor.u32 $0x1000, s19  }
0x40: {  	[hbm4b:s18+s2] =	stream.linear.scatter [tilespmem:s19], [sflag:$0x2], $0x4000, $0x38;
	[tilespmem:$0x19000] =	vst v63  }
0x41: {  	s17 =	sadd.s32 $0x80, s17;
	s18 =	sadd.s32 $0x800, s18  }
.LBB2_2:
0x42: {  	p0 =	sgt.u32 s16, $0x19  }
.Ltmp4:
0x43: {  	_ = 	snop;
	(pc) =	sbr.rel @!p0 .LBB2_3-.Ltmp4, $2  }
0x44: {  	_ =	sdelay $0x2  }
0x45: {  	s19 =	sadd.s32 $0x3, s16  }
0x46: {  	p0 =	sgt.u32 s19, $0x1C  }
.Ltmp5:
0x47: {  	_ = 	snop;
	(pc) =	sbr.rel @p0 .LBB2_6-.Ltmp5, $4  }
.Ltmp6:
0x48: {  	_ = 	snop;
	(pc) =	sbr.rel @!p0 .LBB2_5-.Ltmp6, $4  }
0x49: {  	_ = 	snop  }
0x4a: {  	_ = 	snop  }
0x4b: {  	_ = 	snop  }
0x4c: {  	_ = 	snop  }
.LBB2_8:
0x4d: {  	_ =	sfence.sel $0x180000  }
0x4e: {  	[bflag:$0x0] =	sbarrier.arrive $0xFFFF  }
0x4f: {  	p0 =	sne.s32 s1, $0x0;
	_ =	strace $0x90000047  }
0x50: {  	s0 =	sadd.s32 @!p0 $0x100000, s0;
	[bflag:$0x2] =	sbarrier.arrive $0xFFFF  }
0x51: {  	[sflag:s0] =	ssyncadd.tile.s32 @!p0 $0x1;
	_ =	shalt  }
.Lfunc_end2:
_tile_overlayer_lowered:
.L_overlay_start_2:
0x52: {  	(tag) =	ssettag $0x2  }
0x53: {  	s0 =	rddreg [dreg:$0x0];
	s2 =	stileid.u32  }
0x54: {  	s1 =	rddreg [dreg:$0x1];
	p0 =	sne.s32 s2, $0x0  }
0x55: {  	s3 =	rddreg [dreg:$0x2];
	[bflag:$0x3] =	sbarrier.arrive $0xFFFF;
	s2 =	simm.s32 @!p0 $0x1C03  }
0x56: {  	[timem:s3], [sflag:s2] =	dma.local @!p0 [hbm:s0], s1  }
0x57: {  	s0 =	simm.s32 @!p0 $0x3  }
0x58: {  	_ =	swait.ge @!p0 [sflag:s0], s1  }
0x59: {  	s1 =	ssub.s32 @!p0 $0x0, s1;
	[sflag:s0] =	ssyncset.done @!p0 $0x0  }
0x5a: {  	[sflag:s0] =	ssyncadd.s32 @!p0 s1  }
0x5b: {  	[bflag:$0x3] =	sbarrier.arrive $0xFFFF  }
0x5c: {  	_ =	shalt  }

</sc_bundles>
